<compile_context>
chip_gen: v7x
topology: tpu7x:2x2x1
jax: 0.10.2.dev20260603
libtpu: 0.0.44.dev20260713+nightly
codegen_flags: <defaults>
</compile_context>

<pallas_src>
import functools

import jax
import jax.numpy as jnp
import numpy as np
from jax import lax
from jax.experimental import pallas as pl
from jax.experimental.pallas import tpu as pltpu
from jax.experimental.pallas import tpu_sc as plsc




def _threefry2x32_np(k1, k2, x0, x1):
    rots = ((13, 15, 26, 6), (17, 29, 16, 24))
    ks = (
        np.uint32(k1),
        np.uint32(k2),
        np.uint32(k1) ^ np.uint32(k2) ^ np.uint32(0x1BD11BDA),
    )
    x0 = (x0 + ks[0]).astype(np.uint32)
    x1 = (x1 + ks[1]).astype(np.uint32)
    for i in range(5):
        for r in rots[i % 2]:
            x0 = (x0 + x1).astype(np.uint32)
            x1 = ((x1 << np.uint32(r)) | (x1 >> np.uint32(32 - r))) ^ x0
        x0 = (x0 + ks[(i + 1) % 3]).astype(np.uint32)
        x1 = (x1 + ks[(i + 2) % 3] + np.uint32(i + 1)).astype(np.uint32)
    return x0, x1


def _randint_key0_np(B, N):
    s1, s2 = _threefry2x32_np(0, 0, np.zeros(2, np.uint32), np.arange(2, dtype=np.uint32))
    zeros, iota = np.zeros(B, np.uint32), np.arange(B, dtype=np.uint32)
    h1, h2 = _threefry2x32_np(s1[0], s2[0], zeros, iota)
    l1, l2 = _threefry2x32_np(s1[1], s2[1], zeros, iota)
    higher, lower = h1 ^ h2, l1 ^ l2
    span = np.uint32(N)
    mult = np.uint32(np.uint32(2**16) % span)
    mult = np.uint32(mult * mult) % span
    return ((higher % span) * mult + lower % span) % span


def _flat_idx_np(B, N):
    return _randint_key0_np(B, N).astype(np.int64) + np.arange(B, dtype=np.int64) * N


def _make_gather(D: int, B: int):
    n_workers = 16
    b_per_w = B // n_workers
    mesh = plsc.VectorSubcoreMesh(
        core_axis_name="c", subcore_axis_name="s", num_cores=1
    )

    @functools.partial(
        pl.kernel,
        mesh=mesh,
        out_type=jax.ShapeDtypeStruct((B, D), jnp.float32),
        scratch_types=[
            pltpu.VMEM((b_per_w,), jnp.int32),
            pltpu.VMEM((b_per_w, D), jnp.float32),
            pltpu.SemaphoreType.DMA,
        ],
    )
    def gather(table_hbm, idx_hbm, out_hbm, idx_v, rows_v, sem):
        base = lax.axis_index("s") * b_per_w
        pltpu.sync_copy(idx_hbm.at[pl.ds(base, b_per_w)], idx_v)
        pltpu.async_copy(table_hbm.at[idx_v], rows_v, sem).wait()
        pltpu.sync_copy(rows_v, out_hbm.at[pl.ds(base, b_per_w)])

    return gather


def kernel(x):
    B, N, D = x.shape
    table = x.reshape(B * N, D)
    flat_idx = jnp.asarray(_flat_idx_np(B, N), dtype=jnp.int32)
    return _make_gather(D, B)(table, flat_idx)

# --- scband reference (transcript-rebuilt; emitter-appended) ---
"""Pipeline reference for scband-random-index-28681791603283 (READ-ONLY COPY).

The authoritative reference and input builder live on the scoring server;
editing this copy changes nothing except your own understanding.
"""

import jax, jax.numpy as jnp
import numpy as np

def setup_inputs(seed: int = 0) -> dict:
    key = jax.random.key(seed)
    x = jax.random.normal(jax.random.fold_in(key, 0), (128, 4096, 256), dtype=jnp.float32)
    return {"x": x}

def reference(x):
    # Faithful translation of RandomIndex.forward: pick one random index along
    # axis 1 for each batch row and gather that slice.
    B = x.shape[0]
    N = x.shape[1]
    key = jax.random.key(0)
    batch_idxs = jax.random.randint(key, (B,), 0, N)
    rows = jnp.arange(B)
    return x[rows, batch_idxs]

if __name__ == "__main__":
    import jax
    _d = setup_inputs()
    print(jax.jit(kernel)(*tuple(_d.values())))

</pallas_src>

<mosaic_0001>
#map = affine_map<(d0, d1) -> (0, 0)>
#map1 = affine_map<(d0, d1) -> (0)>
module attributes {stable_mosaic.version = 14 : i64} {
  func.func @gather(%arg0: i32, %arg1: i32, %arg2: memref<524288x256xf32, #tpu.memory_space<hbm>>, %arg3: memref<128xi32, #tpu.memory_space<hbm>>, %arg4: memref<128x256xf32, #tpu.memory_space<hbm>>, %arg5: memref<8xi32, #tpu.memory_space<vmem>>, %arg6: memref<8x256xf32, #tpu.memory_space<vmem>>, %arg7: memref<!tpu.dma_semaphore, #tpu.memory_space<semaphore_mem>>) attributes {dimension_semantics = [#tpu.dimension_semantics<core_parallel>, #tpu.dimension_semantics<subcore_parallel>], iteration_bounds = array<i64: 1, 16>, scalar_prefetch = 0 : i64, scratch_operands = 3 : i64, tpu.core_type = #tpu.core_type<sc_vector_subcore>, window_params = [{transform_indices = #map}, {transform_indices = #map1}, {transform_indices = #map}]} {
    %mul3A = arith.constant 8 : i32
    %mul3A_0 = arith.muli %arg1, %mul3A : i32
    "tpu.region"() ({
      %run_scoped3A = tpu.sem_alloc : memref<!tpu.dma_semaphore, #tpu.memory_space<semaphore_mem>>
      %dma_start3A_5 = tpu.memref_slice %arg3[%mul3A_0] : memref<128xi32, #tpu.memory_space<hbm>> -> memref<8xi32, #tpu.memory_space<hbm>>
      %dma_start3A_6 = tpu.memref_slice %arg3[%mul3A_0] : memref<128xi32, #tpu.memory_space<hbm>> -> memref<8xi32, #tpu.memory_space<hbm>>
      tpu.enqueue_dma source(%dma_start3A_6 : memref<8xi32, #tpu.memory_space<hbm>>) target(%arg5 : memref<8xi32, #tpu.memory_space<vmem>>) target_semaphore(%run_scoped3A : memref<!tpu.dma_semaphore, #tpu.memory_space<semaphore_mem>>)
      %dma_wait3A_7 = tpu.memref_slice %arg3[%mul3A_0] : memref<128xi32, #tpu.memory_space<hbm>> -> memref<8xi32, #tpu.memory_space<hbm>>
      %dma_wait3A_8 = tpu.memref_slice %arg3[%mul3A_0] : memref<128xi32, #tpu.memory_space<hbm>> -> memref<8xi32, #tpu.memory_space<hbm>>
      tpu.wait_dma2 semaphore(%run_scoped3A : memref<!tpu.dma_semaphore, #tpu.memory_space<semaphore_mem>>) src(%dma_wait3A_8 : memref<8xi32, #tpu.memory_space<hbm>>) dst(%arg5 : memref<8xi32, #tpu.memory_space<vmem>>)
      tpu.yield
    }) : () -> ()
    %dma_start3A = arith.constant 0 : i32
    %dma_start3A_1 = arith.constant 0 : i32
    %dma_start3A_2 = tpu.memref_slice %arg2[%dma_start3A, %dma_start3A_1] : memref<524288x256xf32, #tpu.memory_space<hbm>> -> memref<524288x256xf32, #tpu.memory_space<hbm>>
    tpu.enqueue_indirect_dma source(%dma_start3A_2 : memref<524288x256xf32, #tpu.memory_space<hbm>>) target(%arg6 : memref<8x256xf32, #tpu.memory_space<vmem>>) offsets(%arg5 : memref<8xi32, #tpu.memory_space<vmem>>) semaphore(%arg7 : memref<!tpu.dma_semaphore, #tpu.memory_space<semaphore_mem>>)
    %dma_wait3A = arith.constant 0 : i32
    %dma_wait3A_3 = arith.constant 0 : i32
    %dma_wait3A_4 = tpu.memref_slice %arg2[%dma_wait3A, %dma_wait3A_3] : memref<524288x256xf32, #tpu.memory_space<hbm>> -> memref<524288x256xf32, #tpu.memory_space<hbm>>
    tpu.wait_indirect_dma semaphore(%arg7 : memref<!tpu.dma_semaphore, #tpu.memory_space<semaphore_mem>>) src(%dma_wait3A_4 : memref<524288x256xf32, #tpu.memory_space<hbm>>) dst(%arg6 : memref<8x256xf32, #tpu.memory_space<vmem>>)
    "tpu.region"() ({
      %run_scoped3A = tpu.sem_alloc : memref<!tpu.dma_semaphore, #tpu.memory_space<semaphore_mem>>
      %dma_start3A_5 = arith.constant 0 : i32
      %dma_start3A_6 = tpu.memref_slice %arg4[%mul3A_0, %dma_start3A_5] : memref<128x256xf32, #tpu.memory_space<hbm>> -> memref<8x256xf32, #tpu.memory_space<hbm>>
      %dma_start3A_7 = arith.constant 0 : i32
      %dma_start3A_8 = tpu.memref_slice %arg4[%mul3A_0, %dma_start3A_7] : memref<128x256xf32, #tpu.memory_space<hbm>> -> memref<8x256xf32, #tpu.memory_space<hbm>>
      tpu.enqueue_dma source(%arg6 : memref<8x256xf32, #tpu.memory_space<vmem>>) target(%dma_start3A_8 : memref<8x256xf32, #tpu.memory_space<hbm>>) target_semaphore(%run_scoped3A : memref<!tpu.dma_semaphore, #tpu.memory_space<semaphore_mem>>)
      %dma_wait3A_9 = arith.constant 0 : i32
      %dma_wait3A_10 = tpu.memref_slice %arg4[%mul3A_0, %dma_wait3A_9] : memref<128x256xf32, #tpu.memory_space<hbm>> -> memref<8x256xf32, #tpu.memory_space<hbm>>
      %dma_wait3A_11 = arith.constant 0 : i32
      %dma_wait3A_12 = tpu.memref_slice %arg4[%mul3A_0, %dma_wait3A_11] : memref<128x256xf32, #tpu.memory_space<hbm>> -> memref<8x256xf32, #tpu.memory_space<hbm>>
      tpu.wait_dma2 semaphore(%run_scoped3A : memref<!tpu.dma_semaphore, #tpu.memory_space<semaphore_mem>>) src(%arg6 : memref<8x256xf32, #tpu.memory_space<vmem>>) dst(%dma_wait3A_12 : memref<8x256xf32, #tpu.memory_space<hbm>>)
      tpu.yield
    }) : () -> ()
    return
  }
}

</mosaic_0001>

<sc_bundles>
// kernel: kernel.3.cloned.1.call-start
scs
__scs_entry_jumppad:
0x0: {  	(pc) =	sbr.rel $0x88, $3  }
0x1: {  	(tag) =	ssettag $0x0;
	lr =	simm.s32 $0x1  }
0x2: {  	[smem:$0x3FA0] =	sst lr;
	_ =	strace $0xD0000000  }
0x3: {  	_ = 	snop  }
0x4: {  	_ = 	snop  }
0x5: {  	_ = 	snop  }
0x6: {  	_ = 	snop  }
0x7: {  	_ = 	snop  }
__scs_overlays_trampoline_lowered:
0x8: {  	[smem:$0x3FAF] =	sst s0  }
0x9: {  	[smem:$0x3FB0] =	sst s1  }
0xa: {  	[smem:$0x3FB1] =	sst s2  }
0xb: {  	[smem:$0x3FB2] =	sst s3  }
0xc: {  	[smem:$0x3FB3] =	sst s4  }
0xd: {  	[smem:$0x3FB4] =	sst s5  }
0xe: {  	[smem:$0x3FB5] =	sst s6  }
0xf: {  	[smem:$0x3FB6] =	sst s7  }
0x10: {  	[smem:$0x3FB7] =	sst s8  }
0x11: {  	[smem:$0x3FB8] =	sst s9;
	s0 =	simm.s32 @!p0 $0x0  }
0x12: {  	s1 =	sld [smem:$0x3F9E];
	s0 =	simm.s32 @p0 $0x1  }
0x13: {  	[smem:$0x3FB9] =	sst s0;
	s0 =	simm.s32 @!p1 $0x0  }
0x14: {  	s2 =	sld [smem:$0x3F9D];
	s0 =	simm.s32 @p1 $0x1  }
0x15: {  	[smem:$0x3FBA] =	sst s0;
	s0 =	simm.s32 @!p2 $0x0  }
0x16: {  	s3 =	sld [smem:$0x3FDB];
	s0 =	simm.s32 @p2 $0x1  }
0x17: {  	s4 =	simm.s32 $0x1BF5;
	[smem:$0x3FBC] =	sst s0  }
0x18: {  	s0 =	sld [smem:$0x3F9F];
	_ =	swait.ge [sflag:s4], $0x0  }
0x19: {  	s7 =	sld [smem:$0x3FA0]  }
0x1a: {  	s8 =	sadd.s32 $0xFFFFE003, lr  }
0x1b: {  	s9 =	sadd.s32 $0xFFFFFEF7, lr;
	s5 =	simm.s32 $0xFFFFFFFF;
	p2 =	slt.u32 s8, $0xFFFFF086  }
0x1c: {  	p1 =	slt.u32 s9, $0xF7A;
	s5 =	simm.s32 @!p2 $0x0  }
0x1d: {  	s5 =	simm.s32 @p1 $0x1;
	p0 =	seq.s32 s7, s2  }
0x1e: {  	s7 =	smul.u32 @!p0 $0xF7A, s2;
	p2 =	seq.s32 @!p0 s5, $0x0  }
0x1f: {  	s9 =	smul.u32 $0xF7A, s1;
	s8 =	simm.s32 @!p0 $0x1BF5;
	p2 =	por !p2, p0  }
0x20: {  	[sflag:s8] =	ssyncset.s32 @!p0 $0xFFFFF086;
	s6 =	sadd.s32 @!p0 s3, s7;
	s7 =	simm.s32 @!p0 $0x108  }
0x21: {  	s3 =	sadd.s32 s3, s9;
	s6 =	sadd.s32 @!p0 $0x88, s6;
	s7 =	simm.s32 @p2 $0x1082  }
0x22: {  	[simem:s7], [sflag:s8] =	dma.local @!p0 [hbm:s6], $0xF7A  }
0x23: {  	s9 =	sor.u32 $0xD0000000, s2;
	s6 =	simm.s32 $0x108;
	_ =	swait.ge @!p0 [sflag:s8], $0x0  }
0x24: {  	s3 =	sadd.s32 $0x88, s3;
	s6 =	simm.s32 @!p1 $0x1082;
	[sflag:s4] =	ssyncset.s32 $0xFFFFF086  }
0x25: {  	[simem:s6], [sflag:s4] =	dma.local [hbm:s3], $0xF7A  }
0x26: {  	[smem:$0x3FA0] =	sst s1;
	(tag) =	ssettag s2;
	_ =	strace s9  }
0x27: {  	s1 =	sld [smem:$0x3FB0]  }
0x28: {  	s2 =	sld [smem:$0x3FB1]  }
0x29: {  	s4 =	sld [smem:$0x3FB3]  }
0x2a: {  	p0 =	seq.s32 s5, $0x0;
	s5 =	sld [smem:$0x3FB4]  }
0x2b: {  	s6 =	sld [smem:$0x3FB5]  }
0x2c: {  	s7 =	sld [smem:$0x3FB6]  }
0x2d: {  	s3 =	simm.s32 $0x108;
	s8 =	sld [smem:$0x3FB7]  }
0x2e: {  	s3 =	simm.s32 @!p0 $0x1082;
	s9 =	sld [smem:$0x3FB8]  }
0x2f: {  	lr =	sadd.s32 s0, s3;
	s0 =	sld [smem:$0x3FAF]  }
0x30: {  	s3 =	sld [smem:$0x3FB2]  }
0x31: {  	[smem:$0x3FBB] =	sst s10  }
0x32: {  	s10 =	sld [smem:$0x3FB9];
	_ =	sdelay $0x3  }
0x33: {  	p0 =	seq.s32 s10, $0x1;
	s10 =	sld [smem:$0x3FBB];
	_ =	sdelay $0x3  }
0x34: {  	[smem:$0x3FBB] =	sst s10  }
0x35: {  	s10 =	sld [smem:$0x3FBA];
	_ =	sdelay $0x3  }
0x36: {  	p1 =	seq.s32 s10, $0x1;
	s10 =	sld [smem:$0x3FBB];
	_ =	sdelay $0x3  }
0x37: {  	[smem:$0x3FBB] =	sst s10  }
0x38: {  	s10 =	sld [smem:$0x3FBC]  }
0x39: {  	_ = 	snop;
	(pc) =	sbr.ind lr, $3  }
0x3a: {  	_ = 	snop  }
0x3b: {  	_ = 	snop  }
0x3c: {  	p2 =	seq.s32 s10, $0x1;
	s10 =	sld [smem:$0x3FBB]  }
0x3d: {  	_ =	shalt  }
0x3e: {  	_ =	shalt  }
0x3f: {  	_ =	shalt  }
0x40: {  	_ =	shalt  }
0x41: {  	_ =	shalt  }
0x42: {  	_ =	shalt  }
0x43: {  	_ =	shalt  }
0x44: {  	_ =	shalt  }
0x45: {  	_ =	shalt  }
0x46: {  	_ =	shalt  }
0x47: {  	_ =	shalt  }
0x48: {  	_ =	shalt  }
0x49: {  	_ =	shalt  }
0x4a: {  	_ =	shalt  }
0x4b: {  	_ =	shalt  }
0x4c: {  	_ =	shalt  }
0x4d: {  	_ =	shalt  }
0x4e: {  	_ =	shalt  }
0x4f: {  	_ =	shalt  }
0x50: {  	_ =	shalt  }
0x51: {  	_ =	shalt  }
0x52: {  	_ =	shalt  }
0x53: {  	_ =	shalt  }
0x54: {  	_ =	shalt  }
0x55: {  	_ =	shalt  }
0x56: {  	_ =	shalt  }
0x57: {  	_ =	shalt  }
0x58: {  	_ =	shalt  }
0x59: {  	_ =	shalt  }
0x5a: {  	_ =	shalt  }
0x5b: {  	_ =	shalt  }
0x5c: {  	_ =	shalt  }
0x5d: {  	_ =	shalt  }
0x5e: {  	_ =	shalt  }
0x5f: {  	_ =	shalt  }
0x60: {  	_ =	shalt  }
0x61: {  	_ =	shalt  }
0x62: {  	_ =	shalt  }
0x63: {  	_ =	shalt  }
0x64: {  	_ =	shalt  }
0x65: {  	_ =	shalt  }
0x66: {  	_ =	shalt  }
0x67: {  	_ =	shalt  }
0x68: {  	_ =	shalt  }
0x69: {  	_ =	shalt  }
0x6a: {  	_ =	shalt  }
0x6b: {  	_ =	shalt  }
0x6c: {  	_ =	shalt  }
0x6d: {  	_ =	shalt  }
0x6e: {  	_ =	shalt  }
0x6f: {  	_ =	shalt  }
0x70: {  	_ =	shalt  }
0x71: {  	_ =	shalt  }
0x72: {  	_ =	shalt  }
0x73: {  	_ =	shalt  }
0x74: {  	_ =	shalt  }
0x75: {  	_ =	shalt  }
0x76: {  	_ =	shalt  }
0x77: {  	_ =	shalt  }
0x78: {  	_ =	shalt  }
0x79: {  	_ =	shalt  }
0x7a: {  	_ =	shalt  }
0x7b: {  	_ =	shalt  }
0x7c: {  	_ =	shalt  }
0x7d: {  	_ =	shalt  }
0x7e: {  	_ =	shalt  }
0x7f: {  	_ =	shalt  }
0x80: {  	_ =	shalt  }
0x81: {  	_ =	shalt  }
0x82: {  	_ =	shalt  }
0x83: {  	_ =	shalt  }
0x84: {  	_ =	shalt  }
0x85: {  	_ =	shalt  }
0x86: {  	_ =	shalt  }
0x87: {  	_ =	shalt  }
.Lfunc_end0:
.L_simem_size_0:
called_computation_lowered:
.L_overlay_start_0:
0x88: {  	s0 =	sld [smem:$0x3FD9]  }
0x89: {  	s1 =	sld [smem:$0x3FFE];
	_ =	sdelay $0x3  }
0x8a: {  	s0 =	sadd.s32 s1, s0  }
0x8b: {  	[smem:$0x3FC7] =	sst s0  }
0x8c: {  	_ = 	snop  }
0x8d: {  	s0 =	sld [smem:$0x3FC9]  }
0x8e: {  	s16 =	sld [smem:$0x3FD0];
	(tm) =	ssettm $0x1  }
0x8f: {  	s2 =	sld [smem:$0x3FFB];
	_ =	sdelay $0x3  }
0x90: {  	_ =	strace s2  }
0x91: {  	s2 =	sld [smem:$0x3FFC];
	_ =	sdelay $0x3  }
0x92: {  	_ =	strace s2  }
0x93: {  	s2 =	sld [smem:$0x3FFD];
	_ =	sdelay $0x3  }
0x94: {  	_ =	strace s2  }
0x95: {  	_ =	strace $0x8FFFFFFF  }
0x96: {  	s17 =	sld [smem:$0x3FDB];
	_ =	sdelay $0x1  }
0x97: {  	s3 =	simm.s32 $_scs_section_size  }
0x98: {  	s4 =	simm.s32 $_size__tile_overlayer_lowered;
	s5 =	simm.s32 $_tile_overlayer_lowered  }
0x99: {  	s20 =	simm.s32 $0x1BFF;
	s19 =	sshll.u32 s5, $0x1;
	s2 =	sadd.s32 s3, s17  }
0x9a: {  	s6 =	simm.s32 $0x0;
	s18 =	sshll.u32 s4, $0x1;
	s4 =	sadd.s32 s19, s2  }
0x9b: {  	[timem:s6], [sflag:s20] =	dma.local [hbm:s4], s18  }
0x9c: {  	_ =	swait.ge [sflag:s20], s18  }
0x9d: {  	s3 =	ssub.s32 $0x0, s18;
	[sflag:s20] =	ssyncset.done $0x0  }
0x9e: {  	[sflag:s20] =	ssyncadd.s32 s3;
	_ =	sdelay $0x1  }
0x9f: {  	s21 =	simm.s32 $0x1B8B  }
0xa0: {  	_ =	swait.ge [sflag:s21], $0x1  }
0xa1: {  	[sflag:s21] =	ssyncset.done $0x0  }
0xa2: {  	s23 =	simm.s32 $0x1B8E;
	s22 =	sld [smem:$0x3FFE];
	[sflag:s21] =	ssyncadd.s32 $0xFFFFFFFF  }
0xa3: {  	s24 =	simm.s32 $execute0_lowered;
	[smem:$0x3FD2] =	sst s23  }
0xa4: {  	s4 =	sshll.u32 s24, $0x1;
	_ =	strace $0x80000046;
	[dreg:$0x1] =	wrdreg $0xFFFFFFFF  }
0xa5: {  	s25 =	simm.s32 $_size_execute0_lowered;
	s2 =	sadd.s32 s2, s4;
	[dreg:$0x0] =	wrdreg $0x0  }
0xa6: {  	s4 =	sshll.u32 s25, $0x1;
	[dreg:$0x2] =	wrdreg s2  }
0xa7: {  	[dreg:$0x3] =	wrdreg s4  }
0xa8: {  	[dreg:$0x4] =	wrdreg $0xC0  }
0xa9: {  	_ =	task [dreg:s6], $0x5FFFF  }
0xaa: {  	[dreg:$0x1] =	wrdreg $0xFFFFFFFF  }
0xab: {  	[dreg:$0x0] =	wrdreg $0x60  }
0xac: {  	[dreg:$0x2] =	wrdreg s0  }
0xad: {  	[dreg:$0x3] =	wrdreg s22  }
0xae: {  	[dreg:$0x4] =	wrdreg s16  }
0xaf: {  	[dreg:$0x5] =	wrdreg $0x9  }
0xb0: {  	_ =	task.clear_ibuf [dreg:s6], $0x6FFFF;
	_ =	strace $0x90000046  }
0xb1: {  	s26 =	simm.s32 $0x9;
	_ =	strace $0x80000048  }
0xb2: {  	_ =	swait.ge [sflag:s26], $0x1  }
0xb3: {  	[sflag:s26] =	ssyncadd.s32 $0xFFFFFFFF  }
0xb4: {  	_ =	strace $0x90000048  }
0xb5: {  	_ =	sfence  }
0xb6: {  	s28 =	sld [smem:$0x0];
	_ =	sdelay $0x1  }
0xb7: {  	s29 =	srdreg.scid  }
0xb8: {  	s30 =	sshll.u32 s29, $0xD;
	s31 =	sshrl.u32 s29, $0x2  }
0xb9: {  	s1 =	sand.u32 $0x1, s29;
	s2 =	sand.u32 $0x4000, s30;
	s0 =	sadd.s32 s31, s28  }
0xba: {  	s1 =	sor.u32 s2, s1;
	s0 =	sshll.u32 s0, $0x11  }
0xbb: {  	s0 =	sor.u32 s0, s1  }
0xbc: {  	s0 =	sadd.s32 $0x8F2B, s0  }
0xbd: {  	[sflag:s0] =	ssyncadd.remote.s32 $0x1  }
0xbe: {  	_ =	sfence.sel $0xFFFF  }
0xbf: {  	[dreg:$0x0] =	wrdreg $0xFFFFFFFF;
	(pc) =	sbr.abs _section_cstart, $3  }
0xc0: {  	[dreg:$0x1] =	wrdreg $0xFFFFFFFF  }
0xc1: {  	_ =	task.clear_ibuf [dreg:s6], $0x2FFFF;
	_ =	strace $0x9FFFFFFF  }
0xc2: {  	(tm) =	ssettm $0x7FFFFFFF  }
0xc3: {  	_ =	shalt  }
tec
execute0_lowered:
.L_overlay_start_1:
0x0: {  	(tag) =	ssettag $0x1  }
0x1: {  	s0 =	rddreg [dreg:$0x0]  }
0x2: {  	s1 =	rddreg [dreg:$0x1]  }
0x3: {  	s2 =	rddreg [dreg:$0x2]  }
0x4: {  	s3 =	rddreg [dreg:$0x3];
	s4 =	simm.s32 $0x0;
	s5 =	stileid.u32  }
0x5: {  	[smem:$0x7FF] =	sst s4;
	s1 =	sadd.s32 s5, s1  }
0x6: {  	s30 =	simm.s32 $0x2;
	_ =	strace $0x80000047;
	s1 =	sadd.s32 $0x400, s1  }
0x7: {  	[tilespmem:s4], [sflag:$0x2] =	stream.linear.gather [hbm4b:s1+s4], $0x8, $0x38;
	[tilespmem:$0x880] =	vst v63  }
0x8: {  	_ =	swait.ge [sflag:s30], $0x8  }
0x9: {  	[sflag:s30] =	ssyncset.done $0x0  }
0xa: {  	[sflag:s30] =	ssyncadd.s32 $0xFFFFFFF8  }
0xb: {  	v0 =	vld.msk [tilespmem:$0x0], $0xff;
	_ =	sdelay $0x4  }
0xc: {  	v1 =	vshll.u32 v0, $0x1  }
0xd: {  	v2 =	vlaneseq.u32;
	v0 =	vand.u32 $0x7, v0;
	v1 =	vand.u32 $0xFFFFFFF0, v1  }
0xe: {  	v62 =	vand.u32 $0x7, v2;
	v2 =	vshrl.u32 v2, $0x3;
	v0 =	vor.u32 v0, v1  }
0xf: {  	v63 =	vmul.u32 $0x8, v2;
	v0 =	vperm.xlane v0, v62;
	_ =	sdelay $0x1  }
0x10: {  	v0 =	vadd.s32 v63, v0;
	_ =	sdelay $0x3  }
0x11: {  	vm0 =	vmmov $0xffff;
	s6 =	simm.s32 $0x80;
	s31 =	simm.s32 $0x1  }
0x12: {  	[tilespmem:s6], [sflag:$0x1] =	stream.indirect_vreg.gather [hbm4b:s0+s4], $0x80, v0, vm0, $0xb8;
	[tilespmem:$0x880] =	vst v63  }
0x13: {  	_ =	swait.ge [sflag:s31], $0x800  }
0x14: {  	s7 =	sshll.u32 s5, $0x8;
	[sflag:s31] =	ssyncset.done $0x0  }
0x15: {  	s2 =	sadd.s32 s2, s7;
	[sflag:s31] =	ssyncadd.s32 $0xFFFFF800  }
0x16: {  	[hbm4b:s2+s4] =	stream.linear.scatter [tilespmem:s6], [sflag:$0x2], $0x800, $0x38;
	[tilespmem:$0x880] =	vst v63  }
0x17: {  	_ =	swait.ge [sflag:s30], $0x800  }
0x18: {  	[sflag:s30] =	ssyncset.done $0x0  }
0x19: {  	[sflag:s30] =	ssyncadd.s32 $0xFFFFF800  }
0x1a: {  	_ =	sfence.sel $0x180000  }
0x1b: {  	[bflag:$0x0] =	sbarrier.arrive $0xFFFF  }
0x1c: {  	p0 =	sne.s32 s5, $0x0;
	_ =	strace $0x90000047  }
0x1d: {  	s0 =	sadd.s32 @!p0 $0x100000, s3;
	[bflag:$0x2] =	sbarrier.arrive $0xFFFF  }
0x1e: {  	[sflag:s0] =	ssyncadd.tile.s32 @!p0 $0x1;
	_ =	shalt  }
.Lfunc_end2:
_tile_overlayer_lowered:
.L_overlay_start_2:
0x1f: {  	(tag) =	ssettag $0x2  }
0x20: {  	s0 =	rddreg [dreg:$0x0];
	s2 =	stileid.u32  }
0x21: {  	s1 =	rddreg [dreg:$0x1];
	p0 =	sne.s32 s2, $0x0  }
0x22: {  	s3 =	rddreg [dreg:$0x2];
	[bflag:$0x3] =	sbarrier.arrive $0xFFFF;
	s2 =	simm.s32 @!p0 $0x1C02  }
0x23: {  	[timem:s3], [sflag:s2] =	dma.local @!p0 [hbm:s0], s1  }
0x24: {  	s0 =	simm.s32 @!p0 $0x2  }
0x25: {  	_ =	swait.ge @!p0 [sflag:s0], s1  }
0x26: {  	s1 =	ssub.s32 @!p0 $0x0, s1;
	[sflag:s0] =	ssyncset.done @!p0 $0x0  }
0x27: {  	[sflag:s0] =	ssyncadd.s32 @!p0 s1  }
0x28: {  	[bflag:$0x3] =	sbarrier.arrive $0xFFFF  }
0x29: {  	_ =	shalt  }

</sc_bundles>
